<compile_context>
chip_gen: v7x
topology: tpu7x:2x2x1
jax: 0.10.2.dev20260603
libtpu: 0.0.44.dev20260713+nightly
codegen_flags: <defaults>
</compile_context>

<pallas_src>
import functools

import jax
import jax.numpy as jnp
from jax import lax
from jax.experimental import pallas as pl
from jax.experimental.pallas import tpu as pltpu
from jax.experimental.pallas import tpu_sc as plsc

B = 16
T = 50
P = 8
H = 64
W = 64
N = B * T
NC = 2
NS = 16
NWORK = NC * NS
NSC = 40
WRK = 20
RPW = NSC // WRK
NTC = N - NSC
G = 40


def _sc_body(xd_h, yd_h, dx_h, dy_h, ox_h, oy_h, z_h, out_h,
             xv, yv, dxv, dyv, oxv, oyv, buf0, buf1, sem0, sem1):
    w = lax.axis_index("s") * NC + lax.axis_index("c")

    @pl.when(w < WRK)
    def _():
        _worker(w, xd_h, yd_h, dx_h, dy_h, ox_h, oy_h, z_h, out_h,
                xv, yv, dxv, dyv, oxv, oyv, buf0, buf1, sem0, sem1)


def _worker(w, xd_h, yd_h, dx_h, dy_h, ox_h, oy_h, z_h, out_h,
            xv, yv, dxv, dyv, oxv, oyv, buf0, buf1, sem0, sem1):
    base = w * RPW

    pltpu.sync_copy(xd_h.at[pl.ds(base * 16, RPW * 16)], xv)
    pltpu.sync_copy(yd_h.at[pl.ds(base * 16, RPW * 16)], yv)
    pltpu.sync_copy(dx_h.at[pl.ds(base * 16, RPW * 16)], dxv)
    pltpu.sync_copy(dy_h.at[pl.ds(base * 16, RPW * 16)], dyv)
    pltpu.sync_copy(ox_h.at[pl.ds(base * 16, RPW * 16)], oxv)
    pltpu.sync_copy(oy_h.at[pl.ds(base * 16, RPW * 16)], oyv)
    pltpu.sync_copy(z_h, buf0)
    pltpu.sync_copy(z_h, buf1)

    lane = lax.iota(jnp.int32, 16)
    lane_p = lane & 7
    mask_lo = lane < 8
    ones = jnp.full((16,), 1.0, jnp.float32)
    zeros_v = jnp.zeros((16,), jnp.float32)

    bufs = (buf0, buf1)
    sems = (sem0, sem1)
    prev = [None, None]
    handles = [None] * (2 * RPW)
    ok = riq = ciq = None
    for hs in range(2 * RPW):
        s, q = hs >> 1, hs & 1
        b = hs & 1
        buf = bufs[b]
        if hs >= 2:
            handles[hs - 2].wait()
            idx_old, msk_old = prev[b]
            plsc.store_scatter(buf, idx_old, zeros_v, mask=msk_old)
        if q == 0:
            sl = pl.ds(s * 16, 16)
            cf = xv[sl] / dxv[sl] + oxv[sl]
            rf = yv[sl] / dyv[sl] + oyv[sl]
            ci = cf.astype(jnp.int32)
            ri = rf.astype(jnp.int32)
            ok = mask_lo & (ci >= 0) & (ci < W) & (ri >= 0) & (ri < H)
            ciq = jnp.clip(ci, 0, W - 1)
            riq = jnp.clip(ri, 0, H - 1)
        okq = ok & ((riq >= q * (H // 2)) & (riq < (q + 1) * (H // 2)))
        rloc = jnp.clip(riq - q * (H // 2), 0, H // 2 - 1)
        idx = [rloc, lane_p, ciq]
        plsc.store_scatter(buf, idx, ones, mask=okq)
        handles[hs] = pltpu.async_copy(
            buf, out_h.at[base + s, pl.ds(q * (H // 2), H // 2)], sems[b])
        prev[b] = (idx, okq)
    handles[2 * RPW - 2].wait()
    handles[2 * RPW - 1].wait()


_sc_fn = functools.partial(
    pl.kernel,
    out_type=jax.ShapeDtypeStruct((N, H, P, W), jnp.float32),
    mesh=plsc.VectorSubcoreMesh(core_axis_name="c", subcore_axis_name="s"),
    compiler_params=pltpu.CompilerParams(needs_layout_passes=False),
    scratch_types=[
        pltpu.VMEM((RPW * 16,), jnp.float32),
        pltpu.VMEM((RPW * 16,), jnp.float32),
        pltpu.VMEM((RPW * 16,), jnp.float32),
        pltpu.VMEM((RPW * 16,), jnp.float32),
        pltpu.VMEM((RPW * 16,), jnp.float32),
        pltpu.VMEM((RPW * 16,), jnp.float32),
        pltpu.VMEM((H // 2, P, W), jnp.float32),
        pltpu.VMEM((H // 2, P, W), jnp.float32),
        pltpu.SemaphoreType.DMA,
        pltpu.SemaphoreType.DMA,
    ],
)(_sc_body)


def _tc_body(acc_ref, xr, yr, resr, orgr, out_ref):
    del acc_ref
    res = resr[...]
    org = orgr[...]
    coli = (xr[...] / res[:, 0:1] + org[:, 1:2]).astype(jnp.int32)
    rowi = (yr[...] / res[:, 1:2] + org[:, 0:1]).astype(jnp.int32)
    inb = (coli >= 0) & (coli < W) & (rowi >= 0) & (rowi < H)
    tgt_r = jnp.where(inb, rowi, -1)
    hio = jax.lax.broadcasted_iota(jnp.int32, (G, H, P, W), 1)
    wio = jax.lax.broadcasted_iota(jnp.int32, (G, H, P, W), 3)
    hit = (hio == tgt_r[:, None, :, None]) & (wio == coli[:, None, :, None])
    out_ref[...] = hit.astype(jnp.float32)


def kernel(x, resolution, origin):
    pts = x.reshape(N, P, 2)
    xc = pts[:, :, 0]
    yc = pts[:, :, 1]
    res = resolution.reshape(N, 2)
    org = origin.reshape(N, 2)

    xd = jnp.tile(xc[:NSC], (1, 2)).reshape(-1)
    yd = jnp.tile(yc[:NSC], (1, 2)).reshape(-1)
    dx = jnp.tile(res[:NSC, 0:1], (1, 16)).reshape(-1)
    dy = jnp.tile(res[:NSC, 1:2], (1, 16)).reshape(-1)
    ox = jnp.tile(org[:NSC, 1:2], (1, 16)).reshape(-1)
    oy = jnp.tile(org[:NSC, 0:1], (1, 16)).reshape(-1)
    z = jnp.zeros((H // 2, P, W), jnp.float32)
    grid_sc = _sc_fn(xd, yd, dx, dy, ox, oy, z)

    off = 1
    out = pl.pallas_call(
        _tc_body,
        grid=(NTC // G,),
        in_specs=[
            pl.BlockSpec(memory_space=pl.ANY),
            pl.BlockSpec((G, P), lambda i: (i + off, 0)),
            pl.BlockSpec((G, P), lambda i: (i + off, 0)),
            pl.BlockSpec((G, 2), lambda i: (i + off, 0)),
            pl.BlockSpec((G, 2), lambda i: (i + off, 0)),
        ],
        out_specs=pl.BlockSpec((G, H, P, W), lambda i: (i + off, 0, 0, 0)),
        out_shape=jax.ShapeDtypeStruct((N, H, P, W), jnp.float32),
        input_output_aliases={0: 0},
    )(grid_sc, xc, yc, res, org)

    out5 = out.reshape(B, T, H, P, W)
    return jnp.transpose(out5, (0, 1, 2, 4, 3))

# --- scband reference (transcript-rebuilt; emitter-appended) ---
"""Pipeline reference for scband-raster-points-19421842112756 (READ-ONLY COPY).

The authoritative reference and input builder live on the scoring server;
editing this copy changes nothing except your own understanding.
"""

import jax, jax.numpy as jnp
import numpy as np

B = 16      # batch_size
T = 50      # sequence_length
P = 8       # n_points (n = 2*P = 16)
H = 64      # local_env_shape[0]
W = 64      # local_env_shape[1]


def setup_inputs(seed: int = 0) -> dict:
    key = jax.random.key(seed)
    k1, k2, k3 = jax.random.split(key, 3)
    # points in [0, 60) so most scattered indices land in-bounds for a 64x64 grid
    x = jax.random.uniform(k1, (B, T, P * 2), dtype=jnp.float32) * 60.0
    resolution = jnp.ones((B, T, 2), dtype=jnp.float32)
    origin = jnp.zeros((B, T, 2), dtype=jnp.float32)
    return {"x": x, "resolution": resolution, "origin": origin}


def reference(x, resolution, origin):
    # points: [B, T, P, 2]
    points = x.reshape(B, T, P, 2)
    # tf.cast(float -> int64) truncates toward zero; astype does the same
    row_y_indices = (points[:, :, :, 1] / resolution[:, :, 1:2] + origin[:, :, 0:1]).astype(jnp.int64).reshape(-1)
    col_x_indices = (points[:, :, :, 0] / resolution[:, :, 0:1] + origin[:, :, 1:2]).astype(jnp.int64).reshape(-1)
    batch_indices = jnp.repeat(jnp.arange(B, dtype=jnp.int64), T * P)
    time_indices = jnp.tile(jnp.repeat(jnp.arange(T, dtype=jnp.int64), P), B)
    point_channel_indices = jnp.tile(jnp.arange(P, dtype=jnp.int64), B * T)

    in_bounds_row = (row_y_indices >= 0) & (row_y_indices < H)
    in_bounds_col = (col_x_indices >= 0) & (col_x_indices < W)
    in_bounds = in_bounds_row & in_bounds_col

    # Instead of boolean_mask (dynamic shape), clip indices and scatter-max a
    # value that is 1.0 for valid points and 0.0 for out-of-bounds points.
    # Since the buffer starts at zero, .at[...].max(v) reproduces exactly the
    # original "set valid cells to 1" semantics (invalid writes are no-ops).
    rows = jnp.clip(row_y_indices, 0, H - 1)
    cols = jnp.clip(col_x_indices, 0, W - 1)
    vals = in_bounds.astype(jnp.float32)

    rope_images = jnp.zeros((B, T, H, W, P), dtype=jnp.float32)
    rope_images = rope_images.at[batch_indices, time_indices, rows, cols, point_channel_indices].max(vals)
    return rope_images

if __name__ == "__main__":
    import jax
    _d = setup_inputs()
    print(jax.jit(kernel)(*tuple(_d.values())))

</pallas_src>

<mosaic_0001>
#map = affine_map<(d0, d1) -> (0)>
#map1 = affine_map<(d0, d1) -> (0, 0, 0)>
#map2 = affine_map<(d0, d1) -> (0, 0, 0, 0)>
module attributes {stable_mosaic.version = 14 : i64} {
  func.func @_sc_body(%arg0: i32, %arg1: i32, %arg2: memref<640xf32, #tpu.memory_space<hbm>>, %arg3: memref<640xf32, #tpu.memory_space<hbm>>, %arg4: memref<640xf32, #tpu.memory_space<hbm>>, %arg5: memref<640xf32, #tpu.memory_space<hbm>>, %arg6: memref<640xf32, #tpu.memory_space<hbm>>, %arg7: memref<640xf32, #tpu.memory_space<hbm>>, %arg8: memref<32x8x64xf32, #tpu.memory_space<hbm>>, %arg9: memref<800x64x8x64xf32, #tpu.memory_space<hbm>>, %arg10: memref<32xf32, #tpu.memory_space<vmem>>, %arg11: memref<32xf32, #tpu.memory_space<vmem>>, %arg12: memref<32xf32, #tpu.memory_space<vmem>>, %arg13: memref<32xf32, #tpu.memory_space<vmem>>, %arg14: memref<32xf32, #tpu.memory_space<vmem>>, %arg15: memref<32xf32, #tpu.memory_space<vmem>>, %arg16: memref<32x8x64xf32, #tpu.memory_space<vmem>>, %arg17: memref<32x8x64xf32, #tpu.memory_space<vmem>>, %arg18: memref<!tpu.dma_semaphore, #tpu.memory_space<semaphore_mem>>, %arg19: memref<!tpu.dma_semaphore, #tpu.memory_space<semaphore_mem>>) attributes {dimension_semantics = [#tpu.dimension_semantics<core_parallel>, #tpu.dimension_semantics<subcore_parallel>], iteration_bounds = array<i64: 2, 16>, scalar_prefetch = 0 : i64, scratch_operands = 10 : i64, tpu.core_type = #tpu.core_type<sc_vector_subcore>, window_params = [{transform_indices = #map}, {transform_indices = #map}, {transform_indices = #map}, {transform_indices = #map}, {transform_indices = #map}, {transform_indices = #map}, {transform_indices = #map1}, {transform_indices = #map2}]} {
    %mul3A = arith.constant 2 : i32
    %mul3A_0 = arith.muli %arg1, %mul3A : i32
    %add3A = arith.addi %mul3A_0, %arg0 : i32
    %lt3A = arith.constant 20 : i32
    %lt3A_1 = arith.cmpi slt, %add3A, %lt3A : i32
    %convert_element_type3A = arith.extui %lt3A_1 : i1 to i32
    %cond3A = arith.constant 0 : i32
    %cond3A_2 = arith.cmpi ne, %convert_element_type3A, %cond3A : i32
    scf.if %cond3A_2 {
      %mul3A_3 = arith.constant 2 : i32
      %mul3A_4 = arith.muli %add3A, %mul3A_3 : i32
      %mul3A_5 = arith.constant 16 : i32
      %mul3A_6 = arith.muli %mul3A_4, %mul3A_5 : i32
      "tpu.region"() ({
        %run_scoped3A = tpu.sem_alloc : memref<!tpu.dma_semaphore, #tpu.memory_space<semaphore_mem>>
        %dma_start3A_264 = tpu.memref_slice %arg2[%mul3A_6] : memref<640xf32, #tpu.memory_space<hbm>> -> memref<32xf32, #tpu.memory_space<hbm>>
        %dma_start3A_265 = tpu.memref_slice %arg2[%mul3A_6] : memref<640xf32, #tpu.memory_space<hbm>> -> memref<32xf32, #tpu.memory_space<hbm>>
        tpu.enqueue_dma source(%dma_start3A_265 : memref<32xf32, #tpu.memory_space<hbm>>) target(%arg10 : memref<32xf32, #tpu.memory_space<vmem>>) target_semaphore(%run_scoped3A : memref<!tpu.dma_semaphore, #tpu.memory_space<semaphore_mem>>)
        %dma_wait3A_266 = tpu.memref_slice %arg2[%mul3A_6] : memref<640xf32, #tpu.memory_space<hbm>> -> memref<32xf32, #tpu.memory_space<hbm>>
        %dma_wait3A_267 = tpu.memref_slice %arg2[%mul3A_6] : memref<640xf32, #tpu.memory_space<hbm>> -> memref<32xf32, #tpu.memory_space<hbm>>
        tpu.wait_dma2 semaphore(%run_scoped3A : memref<!tpu.dma_semaphore, #tpu.memory_space<semaphore_mem>>) src(%dma_wait3A_267 : memref<32xf32, #tpu.memory_space<hbm>>) dst(%arg10 : memref<32xf32, #tpu.memory_space<vmem>>)
        tpu.yield
      }) : () -> ()
      %mul3A_7 = arith.constant 16 : i32
      %mul3A_8 = arith.muli %mul3A_4, %mul3A_7 : i32
      "tpu.region"() ({
        %run_scoped3A = tpu.sem_alloc : memref<!tpu.dma_semaphore, #tpu.memory_space<semaphore_mem>>
        %dma_start3A_264 = tpu.memref_slice %arg3[%mul3A_8] : memref<640xf32, #tpu.memory_space<hbm>> -> memref<32xf32, #tpu.memory_space<hbm>>
        %dma_start3A_265 = tpu.memref_slice %arg3[%mul3A_8] : memref<640xf32, #tpu.memory_space<hbm>> -> memref<32xf32, #tpu.memory_space<hbm>>
        tpu.enqueue_dma source(%dma_start3A_265 : memref<32xf32, #tpu.memory_space<hbm>>) target(%arg11 : memref<32xf32, #tpu.memory_space<vmem>>) target_semaphore(%run_scoped3A : memref<!tpu.dma_semaphore, #tpu.memory_space<semaphore_mem>>)
        %dma_wait3A_266 = tpu.memref_slice %arg3[%mul3A_8] : memref<640xf32, #tpu.memory_space<hbm>> -> memref<32xf32, #tpu.memory_space<hbm>>
        %dma_wait3A_267 = tpu.memref_slice %arg3[%mul3A_8] : memref<640xf32, #tpu.memory_space<hbm>> -> memref<32xf32, #tpu.memory_space<hbm>>
        tpu.wait_dma2 semaphore(%run_scoped3A : memref<!tpu.dma_semaphore, #tpu.memory_space<semaphore_mem>>) src(%dma_wait3A_267 : memref<32xf32, #tpu.memory_space<hbm>>) dst(%arg11 : memref<32xf32, #tpu.memory_space<vmem>>)
        tpu.yield
      }) : () -> ()
      %mul3A_9 = arith.constant 16 : i32
      %mul3A_10 = arith.muli %mul3A_4, %mul3A_9 : i32
      "tpu.region"() ({
        %run_scoped3A = tpu.sem_alloc : memref<!tpu.dma_semaphore, #tpu.memory_space<semaphore_mem>>
        %dma_start3A_264 = tpu.memref_slice %arg4[%mul3A_10] : memref<640xf32, #tpu.memory_space<hbm>> -> memref<32xf32, #tpu.memory_space<hbm>>
        %dma_start3A_265 = tpu.memref_slice %arg4[%mul3A_10] : memref<640xf32, #tpu.memory_space<hbm>> -> memref<32xf32, #tpu.memory_space<hbm>>
        tpu.enqueue_dma source(%dma_start3A_265 : memref<32xf32, #tpu.memory_space<hbm>>) target(%arg12 : memref<32xf32, #tpu.memory_space<vmem>>) target_semaphore(%run_scoped3A : memref<!tpu.dma_semaphore, #tpu.memory_space<semaphore_mem>>)
        %dma_wait3A_266 = tpu.memref_slice %arg4[%mul3A_10] : memref<640xf32, #tpu.memory_space<hbm>> -> memref<32xf32, #tpu.memory_space<hbm>>
        %dma_wait3A_267 = tpu.memref_slice %arg4[%mul3A_10] : memref<640xf32, #tpu.memory_space<hbm>> -> memref<32xf32, #tpu.memory_space<hbm>>
        tpu.wait_dma2 semaphore(%run_scoped3A : memref<!tpu.dma_semaphore, #tpu.memory_space<semaphore_mem>>) src(%dma_wait3A_267 : memref<32xf32, #tpu.memory_space<hbm>>) dst(%arg12 : memref<32xf32, #tpu.memory_space<vmem>>)
        tpu.yield
      }) : () -> ()
      %mul3A_11 = arith.constant 16 : i32
      %mul3A_12 = arith.muli %mul3A_4, %mul3A_11 : i32
      "tpu.region"() ({
        %run_scoped3A = tpu.sem_alloc : memref<!tpu.dma_semaphore, #tpu.memory_space<semaphore_mem>>
        %dma_start3A_264 = tpu.memref_slice %arg5[%mul3A_12] : memref<640xf32, #tpu.memory_space<hbm>> -> memref<32xf32, #tpu.memory_space<hbm>>
        %dma_start3A_265 = tpu.memref_slice %arg5[%mul3A_12] : memref<640xf32, #tpu.memory_space<hbm>> -> memref<32xf32, #tpu.memory_space<hbm>>
        tpu.enqueue_dma source(%dma_start3A_265 : memref<32xf32, #tpu.memory_space<hbm>>) target(%arg13 : memref<32xf32, #tpu.memory_space<vmem>>) target_semaphore(%run_scoped3A : memref<!tpu.dma_semaphore, #tpu.memory_space<semaphore_mem>>)
        %dma_wait3A_266 = tpu.memref_slice %arg5[%mul3A_12] : memref<640xf32, #tpu.memory_space<hbm>> -> memref<32xf32, #tpu.memory_space<hbm>>
        %dma_wait3A_267 = tpu.memref_slice %arg5[%mul3A_12] : memref<640xf32, #tpu.memory_space<hbm>> -> memref<32xf32, #tpu.memory_space<hbm>>
        tpu.wait_dma2 semaphore(%run_scoped3A : memref<!tpu.dma_semaphore, #tpu.memory_space<semaphore_mem>>) src(%dma_wait3A_267 : memref<32xf32, #tpu.memory_space<hbm>>) dst(%arg13 : memref<32xf32, #tpu.memory_space<vmem>>)
        tpu.yield
      }) : () -> ()
      %mul3A_13 = arith.constant 16 : i32
      %mul3A_14 = arith.muli %mul3A_4, %mul3A_13 : i32
      "tpu.region"() ({
        %run_scoped3A = tpu.sem_alloc : memref<!tpu.dma_semaphore, #tpu.memory_space<semaphore_mem>>
        %dma_start3A_264 = tpu.memref_slice %arg6[%mul3A_14] : memref<640xf32, #tpu.memory_space<hbm>> -> memref<32xf32, #tpu.memory_space<hbm>>
        %dma_start3A_265 = tpu.memref_slice %arg6[%mul3A_14] : memref<640xf32, #tpu.memory_space<hbm>> -> memref<32xf32, #tpu.memory_space<hbm>>
        tpu.enqueue_dma source(%dma_start3A_265 : memref<32xf32, #tpu.memory_space<hbm>>) target(%arg14 : memref<32xf32, #tpu.memory_space<vmem>>) target_semaphore(%run_scoped3A : memref<!tpu.dma_semaphore, #tpu.memory_space<semaphore_mem>>)
        %dma_wait3A_266 = tpu.memref_slice %arg6[%mul3A_14] : memref<640xf32, #tpu.memory_space<hbm>> -> memref<32xf32, #tpu.memory_space<hbm>>
        %dma_wait3A_267 = tpu.memref_slice %arg6[%mul3A_14] : memref<640xf32, #tpu.memory_space<hbm>> -> memref<32xf32, #tpu.memory_space<hbm>>
        tpu.wait_dma2 semaphore(%run_scoped3A : memref<!tpu.dma_semaphore, #tpu.memory_space<semaphore_mem>>) src(%dma_wait3A_267 : memref<32xf32, #tpu.memory_space<hbm>>) dst(%arg14 : memref<32xf32, #tpu.memory_space<vmem>>)
        tpu.yield
      }) : () -> ()
      %mul3A_15 = arith.constant 16 : i32
      %mul3A_16 = arith.muli %mul3A_4, %mul3A_15 : i32
      "tpu.region"() ({
        %run_scoped3A = tpu.sem_alloc : memref<!tpu.dma_semaphore, #tpu.memory_space<semaphore_mem>>
        %dma_start3A_264 = tpu.memref_slice %arg7[%mul3A_16] : memref<640xf32, #tpu.memory_space<hbm>> -> memref<32xf32, #tpu.memory_space<hbm>>
        %dma_start3A_265 = tpu.memref_slice %arg7[%mul3A_16] : memref<640xf32, #tpu.memory_space<hbm>> -> memref<32xf32, #tpu.memory_space<hbm>>
        tpu.enqueue_dma source(%dma_start3A_265 : memref<32xf32, #tpu.memory_space<hbm>>) target(%arg15 : memref<32xf32, #tpu.memory_space<vmem>>) target_semaphore(%run_scoped3A : memref<!tpu.dma_semaphore, #tpu.memory_space<semaphore_mem>>)
        %dma_wait3A_266 = tpu.memref_slice %arg7[%mul3A_16] : memref<640xf32, #tpu.memory_space<hbm>> -> memref<32xf32, #tpu.memory_space<hbm>>
        %dma_wait3A_267 = tpu.memref_slice %arg7[%mul3A_16] : memref<640xf32, #tpu.memory_space<hbm>> -> memref<32xf32, #tpu.memory_space<hbm>>
        tpu.wait_dma2 semaphore(%run_scoped3A : memref<!tpu.dma_semaphore, #tpu.memory_space<semaphore_mem>>) src(%dma_wait3A_267 : memref<32xf32, #tpu.memory_space<hbm>>) dst(%arg15 : memref<32xf32, #tpu.memory_space<vmem>>)
        tpu.yield
      }) : () -> ()
      "tpu.region"() ({
        %run_scoped3A = tpu.sem_alloc : memref<!tpu.dma_semaphore, #tpu.memory_space<semaphore_mem>>
        tpu.enqueue_dma source(%arg8 : memref<32x8x64xf32, #tpu.memory_space<hbm>>) target(%arg16 : memref<32x8x64xf32, #tpu.memory_space<vmem>>) target_semaphore(%run_scoped3A : memref<!tpu.dma_semaphore, #tpu.memory_space<semaphore_mem>>)
        tpu.wait_dma2 semaphore(%run_scoped3A : memref<!tpu.dma_semaphore, #tpu.memory_space<semaphore_mem>>) src(%arg8 : memref<32x8x64xf32, #tpu.memory_space<hbm>>) dst(%arg16 : memref<32x8x64xf32, #tpu.memory_space<vmem>>)
        tpu.yield
      }) : () -> ()
      "tpu.region"() ({
        %run_scoped3A = tpu.sem_alloc : memref<!tpu.dma_semaphore, #tpu.memory_space<semaphore_mem>>
        tpu.enqueue_dma source(%arg8 : memref<32x8x64xf32, #tpu.memory_space<hbm>>) target(%arg17 : memref<32x8x64xf32, #tpu.memory_space<vmem>>) target_semaphore(%run_scoped3A : memref<!tpu.dma_semaphore, #tpu.memory_space<semaphore_mem>>)
        tpu.wait_dma2 semaphore(%run_scoped3A : memref<!tpu.dma_semaphore, #tpu.memory_space<semaphore_mem>>) src(%arg8 : memref<32x8x64xf32, #tpu.memory_space<hbm>>) dst(%arg17 : memref<32x8x64xf32, #tpu.memory_space<vmem>>)
        tpu.yield
      }) : () -> ()
      %iota3A = tpu.iota {dimensions = array<i32: 0>} : vector<16xi32>
      %and3A = arith.constant 7 : i32
      %and3A_17 = vector.broadcast %and3A : i32 to vector<16xi32>
      %and3A_18 = arith.andi %iota3A, %and3A_17 : vector<16xi32>
      %lt3A_19 = arith.constant 8 : i32
      %lt3A_20 = vector.broadcast %lt3A_19 : i32 to vector<16xi32>
      %lt3A_21 = arith.cmpi slt, %iota3A, %lt3A_20 : vector<16xi32>
      %broadcast_in_dim3A = arith.constant 1.000000e+00 : f32
      %broadcast_in_dim3A_22 = vector.broadcast %broadcast_in_dim3A : f32 to vector<16xf32>
      %broadcast_in_dim3A_23 = arith.constant 0.000000e+00 : f32
      %broadcast_in_dim3A_24 = vector.broadcast %broadcast_in_dim3A_23 : f32 to vector<16xf32>
      %get3A = arith.constant 0 : index
      %get3A_25 = tpu.vector_load %arg10[%get3A] {strides = array<i32>} : memref<32xf32, #tpu.memory_space<vmem>>, vector<16xf32>,
      %get3A_26 = arith.constant 0 : index
      %get3A_27 = tpu.vector_load %arg12[%get3A_26] {strides = array<i32>} : memref<32xf32, #tpu.memory_space<vmem>>, vector<16xf32>,
      %div3A = arith.divf %get3A_25, %get3A_27 : vector<16xf32>
      %get3A_28 = arith.constant 0 : index
      %get3A_29 = tpu.vector_load %arg14[%get3A_28] {strides = array<i32>} : memref<32xf32, #tpu.memory_space<vmem>>, vector<16xf32>,
      %add3A_30 = arith.addf %div3A, %get3A_29 : vector<16xf32>
      %get3A_31 = arith.constant 0 : index
      %get3A_32 = tpu.vector_load %arg11[%get3A_31] {strides = array<i32>} : memref<32xf32, #tpu.memory_space<vmem>>, vector<16xf32>,
      %get3A_33 = arith.constant 0 : index
      %get3A_34 = tpu.vector_load %arg13[%get3A_33] {strides = array<i32>} : memref<32xf32, #tpu.memory_space<vmem>>, vector<16xf32>,
      %div3A_35 = arith.divf %get3A_32, %get3A_34 : vector<16xf32>
      %get3A_36 = arith.constant 0 : index
      %get3A_37 = tpu.vector_load %arg15[%get3A_36] {strides = array<i32>} : memref<32xf32, #tpu.memory_space<vmem>>, vector<16xf32>,
      %add3A_38 = arith.addf %div3A_35, %get3A_37 : vector<16xf32>
      %convert_element_type3A_39 = arith.fptosi %add3A_30 : vector<16xf32> to vector<16xi32>
      %convert_element_type3A_40 = arith.fptosi %add3A_38 : vector<16xf32> to vector<16xi32>
      %ge3A = arith.constant 0 : i32
      %ge3A_41 = vector.broadcast %ge3A : i32 to vector<16xi32>
      %ge3A_42 = arith.cmpi sge, %convert_element_type3A_39, %ge3A_41 : vector<16xi32>
      %and3A_43 = arith.andi %lt3A_21, %ge3A_42 : vector<16xi1>
      %lt3A_44 = arith.constant 64 : i32
      %lt3A_45 = vector.broadcast %lt3A_44 : i32 to vector<16xi32>
      %lt3A_46 = arith.cmpi slt, %convert_element_type3A_39, %lt3A_45 : vector<16xi32>
      %and3A_47 = arith.andi %and3A_43, %lt3A_46 : vector<16xi1>
      %ge3A_48 = arith.constant 0 : i32
      %ge3A_49 = vector.broadcast %ge3A_48 : i32 to vector<16xi32>
      %ge3A_50 = arith.cmpi sge, %convert_element_type3A_40, %ge3A_49 : vector<16xi32>
      %and3A_51 = arith.andi %and3A_47, %ge3A_50 : vector<16xi1>
      %lt3A_52 = arith.constant 64 : i32
      %lt3A_53 = vector.broadcast %lt3A_52 : i32 to vector<16xi32>
      %lt3A_54 = arith.cmpi slt, %convert_element_type3A_40, %lt3A_53 : vector<16xi32>
      %and3A_55 = arith.andi %and3A_51, %lt3A_54 : vector<16xi1>
      %jit3A = arith.constant 0 : i32
      %jit3A_56 = arith.constant 63 : i32
      %max3A = vector.broadcast %jit3A : i32 to vector<16xi32>
      %max3A_57 = arith.maxsi %max3A, %convert_element_type3A_39 : vector<16xi32>
      %min3A = vector.broadcast %jit3A_56 : i32 to vector<16xi32>
      %min3A_58 = arith.minsi %min3A, %max3A_57 : vector<16xi32>
      %jit3A_59 = arith.constant 0 : i32
      %jit3A_60 = arith.constant 63 : i32
      %max3A_61 = vector.broadcast %jit3A_59 : i32 to vector<16xi32>
      %max3A_62 = arith.maxsi %max3A_61, %convert_element_type3A_40 : vector<16xi32>
      %min3A_63 = vector.broadcast %jit3A_60 : i32 to vector<16xi32>
      %min3A_64 = arith.minsi %min3A_63, %max3A_62 : vector<16xi32>
      %ge3A_65 = arith.constant 0 : i32
      %ge3A_66 = vector.broadcast %ge3A_65 : i32 to vector<16xi32>
      %ge3A_67 = arith.cmpi sge, %min3A_64, %ge3A_66 : vector<16xi32>
      %lt3A_68 = arith.constant 32 : i32
      %lt3A_69 = vector.broadcast %lt3A_68 : i32 to vector<16xi32>
      %lt3A_70 = arith.cmpi slt, %min3A_64, %lt3A_69 : vector<16xi32>
      %and3A_71 = arith.andi %ge3A_67, %lt3A_70 : vector<16xi1>
      %and3A_72 = arith.andi %and3A_55, %and3A_71 : vector<16xi1>
      %sub3A = arith.constant 0 : i32
      %sub3A_73 = vector.broadcast %sub3A : i32 to vector<16xi32>
      %sub3A_74 = arith.subi %min3A_64, %sub3A_73 : vector<16xi32>
      %jit3A_75 = arith.constant 0 : i32
      %jit3A_76 = arith.constant 31 : i32
      %max3A_77 = vector.broadcast %jit3A_75 : i32 to vector<16xi32>
      %max3A_78 = arith.maxsi %max3A_77, %sub3A_74 : vector<16xi32>
      %min3A_79 = vector.broadcast %jit3A_76 : i32 to vector<16xi32>
      %min3A_80 = arith.minsi %min3A_79, %max3A_78 : vector<16xi32>
      tpu.vector_store_idx %arg16[%min3A_80, %and3A_18, %min3A_58], %broadcast_in_dim3A_22 masked %and3A_72 : memref<32x8x64xf32, #tpu.memory_space<vmem>>[vector<16xi32>, vector<16xi32>, vector<16xi32>], vector<16xf32>, vector<16xi1>
      %add3A_81 = arith.constant 0 : i32
      %add3A_82 = arith.addi %mul3A_4, %add3A_81 : i32
      %dma_start3A = arith.constant 0 : i32
      %dma_start3A_83 = arith.constant 0 : i32
      %dma_start3A_84 = arith.constant 0 : i32
      %dma_start3A_85 = tpu.memref_slice %arg9[%add3A_82, %dma_start3A, %dma_start3A_83, %dma_start3A_84] : memref<800x64x8x64xf32, #tpu.memory_space<hbm>> -> memref<1x32x8x64xf32, #tpu.memory_space<hbm>>
      %dma_start3A_86 = tpu.memref_squeeze %dma_start3A_85 : memref<1x32x8x64xf32, #tpu.memory_space<hbm>> -> memref<32x8x64xf32, #tpu.memory_space<hbm>>
      %dma_start3A_87 = arith.constant 0 : i32
      %dma_start3A_88 = arith.constant 0 : i32
      %dma_start3A_89 = arith.constant 0 : i32
      %dma_start3A_90 = tpu.memref_slice %arg9[%add3A_82, %dma_start3A_87, %dma_start3A_88, %dma_start3A_89] : memref<800x64x8x64xf32, #tpu.memory_space<hbm>> -> memref<1x32x8x64xf32, #tpu.memory_space<hbm>>
      %dma_start3A_91 = tpu.memref_squeeze %dma_start3A_90 : memref<1x32x8x64xf32, #tpu.memory_space<hbm>> -> memref<32x8x64xf32, #tpu.memory_space<hbm>>
      tpu.enqueue_dma source(%arg16 : memref<32x8x64xf32, #tpu.memory_space<vmem>>) target(%dma_start3A_91 : memref<32x8x64xf32, #tpu.memory_space<hbm>>) target_semaphore(%arg18 : memref<!tpu.dma_semaphore, #tpu.memory_space<semaphore_mem>>)
      %ge3A_92 = arith.constant 32 : i32
      %ge3A_93 = vector.broadcast %ge3A_92 : i32 to vector<16xi32>
      %ge3A_94 = arith.cmpi sge, %min3A_64, %ge3A_93 : vector<16xi32>
      %lt3A_95 = arith.constant 64 : i32
      %lt3A_96 = vector.broadcast %lt3A_95 : i32 to vector<16xi32>
      %lt3A_97 = arith.cmpi slt, %min3A_64, %lt3A_96 : vector<16xi32>
      %and3A_98 = arith.andi %ge3A_94, %lt3A_97 : vector<16xi1>
      %and3A_99 = arith.andi %and3A_55, %and3A_98 : vector<16xi1>
      %sub3A_100 = arith.constant 32 : i32
      %sub3A_101 = vector.broadcast %sub3A_100 : i32 to vector<16xi32>
      %sub3A_102 = arith.subi %min3A_64, %sub3A_101 : vector<16xi32>
      %jit3A_103 = arith.constant 0 : i32
      %jit3A_104 = arith.constant 31 : i32
      %max3A_105 = vector.broadcast %jit3A_103 : i32 to vector<16xi32>
      %max3A_106 = arith.maxsi %max3A_105, %sub3A_102 : vector<16xi32>
      %min3A_107 = vector.broadcast %jit3A_104 : i32 to vector<16xi32>
      %min3A_108 = arith.minsi %min3A_107, %max3A_106 : vector<16xi32>
      tpu.vector_store_idx %arg17[%min3A_108, %and3A_18, %min3A_58], %broadcast_in_dim3A_22 masked %and3A_99 : memref<32x8x64xf32, #tpu.memory_space<vmem>>[vector<16xi32>, vector<16xi32>, vector<16xi32>], vector<16xf32>, vector<16xi1>
      %add3A_109 = arith.constant 0 : i32
      %add3A_110 = arith.addi %mul3A_4, %add3A_109 : i32
      %dma_start3A_111 = arith.constant 32 : i32
      %dma_start3A_112 = arith.constant 0 : i32
      %dma_start3A_113 = arith.constant 0 : i32
      %dma_start3A_114 = tpu.memref_slice %arg9[%add3A_110, %dma_start3A_111, %dma_start3A_112, %dma_start3A_113] : memref<800x64x8x64xf32, #tpu.memory_space<hbm>> -> memref<1x32x8x64xf32, #tpu.memory_space<hbm>>
      %dma_start3A_115 = tpu.memref_squeeze %dma_start3A_114 : memref<1x32x8x64xf32, #tpu.memory_space<hbm>> -> memref<32x8x64xf32, #tpu.memory_space<hbm>>
      %dma_start3A_116 = arith.constant 32 : i32
      %dma_start3A_117 = arith.constant 0 : i32
      %dma_start3A_118 = arith.constant 0 : i32
      %dma_start3A_119 = tpu.memref_slice %arg9[%add3A_110, %dma_start3A_116, %dma_start3A_117, %dma_start3A_118] : memref<800x64x8x64xf32, #tpu.memory_space<hbm>> -> memref<1x32x8x64xf32, #tpu.memory_space<hbm>>
      %dma_start3A_120 = tpu.memref_squeeze %dma_start3A_119 : memref<1x32x8x64xf32, #tpu.memory_space<hbm>> -> memref<32x8x64xf32, #tpu.memory_space<hbm>>
      tpu.enqueue_dma source(%arg17 : memref<32x8x64xf32, #tpu.memory_space<vmem>>) target(%dma_start3A_120 : memref<32x8x64xf32, #tpu.memory_space<hbm>>) target_semaphore(%arg19 : memref<!tpu.dma_semaphore, #tpu.memory_space<semaphore_mem>>)
      %dma_wait3A = arith.constant 0 : i32
      %dma_wait3A_121 = arith.constant 0 : i32
      %dma_wait3A_122 = arith.constant 0 : i32
      %dma_wait3A_123 = tpu.memref_slice %arg9[%add3A_82, %dma_wait3A, %dma_wait3A_121, %dma_wait3A_122] : memref<800x64x8x64xf32, #tpu.memory_space<hbm>> -> memref<1x32x8x64xf32, #tpu.memory_space<hbm>>
      %dma_wait3A_124 = tpu.memref_squeeze %dma_wait3A_123 : memref<1x32x8x64xf32, #tpu.memory_space<hbm>> -> memref<32x8x64xf32, #tpu.memory_space<hbm>>
      %dma_wait3A_125 = arith.constant 0 : i32
      %dma_wait3A_126 = arith.constant 0 : i32
      %dma_wait3A_127 = arith.constant 0 : i32
      %dma_wait3A_128 = tpu.memref_slice %arg9[%add3A_82, %dma_wait3A_125, %dma_wait3A_126, %dma_wait3A_127] : memref<800x64x8x64xf32, #tpu.memory_space<hbm>> -> memref<1x32x8x64xf32, #tpu.memory_space<hbm>>
      %dma_wait3A_129 = tpu.memref_squeeze %dma_wait3A_128 : memref<1x32x8x64xf32, #tpu.memory_space<hbm>> -> memref<32x8x64xf32, #tpu.memory_space<hbm>>
      tpu.wait_dma2 semaphore(%arg18 : memref<!tpu.dma_semaphore, #tpu.memory_space<semaphore_mem>>) src(%arg16 : memref<32x8x64xf32, #tpu.memory_space<vmem>>) dst(%dma_wait3A_129 : memref<32x8x64xf32, #tpu.memory_space<hbm>>)
      tpu.vector_store_idx %arg16[%min3A_80, %and3A_18, %min3A_58], %broadcast_in_dim3A_24 masked %and3A_72 : memref<32x8x64xf32, #tpu.memory_space<vmem>>[vector<16xi32>, vector<16xi32>, vector<16xi32>], vector<16xf32>, vector<16xi1>
      %get3A_130 = arith.constant 16 : index
      %get3A_131 = tpu.vector_load %arg10[%get3A_130] {strides = array<i32>} : memref<32xf32, #tpu.memory_space<vmem>>, vector<16xf32>,
      %get3A_132 = arith.constant 16 : index
      %get3A_133 = tpu.vector_load %arg12[%get3A_132] {strides = array<i32>} : memref<32xf32, #tpu.memory_space<vmem>>, vector<16xf32>,
      %div3A_134 = arith.divf %get3A_131, %get3A_133 : vector<16xf32>
      %get3A_135 = arith.constant 16 : index
      %get3A_136 = tpu.vector_load %arg14[%get3A_135] {strides = array<i32>} : memref<32xf32, #tpu.memory_space<vmem>>, vector<16xf32>,
      %add3A_137 = arith.addf %div3A_134, %get3A_136 : vector<16xf32>
      %get3A_138 = arith.constant 16 : index
      %get3A_139 = tpu.vector_load %arg11[%get3A_138] {strides = array<i32>} : memref<32xf32, #tpu.memory_space<vmem>>, vector<16xf32>,
      %get3A_140 = arith.constant 16 : index
      %get3A_141 = tpu.vector_load %arg13[%get3A_140] {strides = array<i32>} : memref<32xf32, #tpu.memory_space<vmem>>, vector<16xf32>,
      %div3A_142 = arith.divf %get3A_139, %get3A_141 : vector<16xf32>
      %get3A_143 = arith.constant 16 : index
      %get3A_144 = tpu.vector_load %arg15[%get3A_143] {strides = array<i32>} : memref<32xf32, #tpu.memory_space<vmem>>, vector<16xf32>,
      %add3A_145 = arith.addf %div3A_142, %get3A_144 : vector<16xf32>
      %convert_element_type3A_146 = arith.fptosi %add3A_137 : vector<16xf32> to vector<16xi32>
      %convert_element_type3A_147 = arith.fptosi %add3A_145 : vector<16xf32> to vector<16xi32>
      %ge3A_148 = arith.constant 0 : i32
      %ge3A_149 = vector.broadcast %ge3A_148 : i32 to vector<16xi32>
      %ge3A_150 = arith.cmpi sge, %convert_element_type3A_146, %ge3A_149 : vector<16xi32>
      %and3A_151 = arith.andi %lt3A_21, %ge3A_150 : vector<16xi1>
      %lt3A_152 = arith.constant 64 : i32
      %lt3A_153 = vector.broadcast %lt3A_152 : i32 to vector<16xi32>
      %lt3A_154 = arith.cmpi slt, %convert_element_type3A_146, %lt3A_153 : vector<16xi32>
      %and3A_155 = arith.andi %and3A_151, %lt3A_154 : vector<16xi1>
      %ge3A_156 = arith.constant 0 : i32
      %ge3A_157 = vector.broadcast %ge3A_156 : i32 to vector<16xi32>
      %ge3A_158 = arith.cmpi sge, %convert_element_type3A_147, %ge3A_157 : vector<16xi32>
      %and3A_159 = arith.andi %and3A_155, %ge3A_158 : vector<16xi1>
      %lt3A_160 = arith.constant 64 : i32
      %lt3A_161 = vector.broadcast %lt3A_160 : i32 to vector<16xi32>
      %lt3A_162 = arith.cmpi slt, %convert_element_type3A_147, %lt3A_161 : vector<16xi32>
      %and3A_163 = arith.andi %and3A_159, %lt3A_162 : vector<16xi1>
      %jit3A_164 = arith.constant 0 : i32
      %jit3A_165 = arith.constant 63 : i32
      %max3A_166 = vector.broadcast %jit3A_164 : i32 to vector<16xi32>
      %max3A_167 = arith.maxsi %max3A_166, %convert_element_type3A_146 : vector<16xi32>
      %min3A_168 = vector.broadcast %jit3A_165 : i32 to vector<16xi32>
      %min3A_169 = arith.minsi %min3A_168, %max3A_167 : vector<16xi32>
      %jit3A_170 = arith.constant 0 : i32
      %jit3A_171 = arith.constant 63 : i32
      %max3A_172 = vector.broadcast %jit3A_170 : i32 to vector<16xi32>
      %max3A_173 = arith.maxsi %max3A_172, %convert_element_type3A_147 : vector<16xi32>
      %min3A_174 = vector.broadcast %jit3A_171 : i32 to vector<16xi32>
      %min3A_175 = arith.minsi %min3A_174, %max3A_173 : vector<16xi32>
      %ge3A_176 = arith.constant 0 : i32
      %ge3A_177 = vector.broadcast %ge3A_176 : i32 to vector<16xi32>
      %ge3A_178 = arith.cmpi sge, %min3A_175, %ge3A_177 : vector<16xi32>
      %lt3A_179 = arith.constant 32 : i32
      %lt3A_180 = vector.broadcast %lt3A_179 : i32 to vector<16xi32>
      %lt3A_181 = arith.cmpi slt, %min3A_175, %lt3A_180 : vector<16xi32>
      %and3A_182 = arith.andi %ge3A_178, %lt3A_181 : vector<16xi1>
      %and3A_183 = arith.andi %and3A_163, %and3A_182 : vector<16xi1>
      %sub3A_184 = arith.constant 0 : i32
      %sub3A_185 = vector.broadcast %sub3A_184 : i32 to vector<16xi32>
      %sub3A_186 = arith.subi %min3A_175, %sub3A_185 : vector<16xi32>
      %jit3A_187 = arith.constant 0 : i32
      %jit3A_188 = arith.constant 31 : i32
      %max3A_189 = vector.broadcast %jit3A_187 : i32 to vector<16xi32>
      %max3A_190 = arith.maxsi %max3A_189, %sub3A_186 : vector<16xi32>
      %min3A_191 = vector.broadcast %jit3A_188 : i32 to vector<16xi32>
      %min3A_192 = arith.minsi %min3A_191, %max3A_190 : vector<16xi32>
      tpu.vector_store_idx %arg16[%min3A_192, %and3A_18, %min3A_169], %broadcast_in_dim3A_22 masked %and3A_183 : memref<32x8x64xf32, #tpu.memory_space<vmem>>[vector<16xi32>, vector<16xi32>, vector<16xi32>], vector<16xf32>, vector<16xi1>
      %add3A_193 = arith.constant 1 : i32
      %add3A_194 = arith.addi %mul3A_4, %add3A_193 : i32
      %dma_start3A_195 = arith.constant 0 : i32
      %dma_start3A_196 = arith.constant 0 : i32
      %dma_start3A_197 = arith.constant 0 : i32
      %dma_start3A_198 = tpu.memref_slice %arg9[%add3A_194, %dma_start3A_195, %dma_start3A_196, %dma_start3A_197] : memref<800x64x8x64xf32, #tpu.memory_space<hbm>> -> memref<1x32x8x64xf32, #tpu.memory_space<hbm>>
      %dma_start3A_199 = tpu.memref_squeeze %dma_start3A_198 : memref<1x32x8x64xf32, #tpu.memory_space<hbm>> -> memref<32x8x64xf32, #tpu.memory_space<hbm>>
      %dma_start3A_200 = arith.constant 0 : i32
      %dma_start3A_201 = arith.constant 0 : i32
      %dma_start3A_202 = arith.constant 0 : i32
      %dma_start3A_203 = tpu.memref_slice %arg9[%add3A_194, %dma_start3A_200, %dma_start3A_201, %dma_start3A_202] : memref<800x64x8x64xf32, #tpu.memory_space<hbm>> -> memref<1x32x8x64xf32, #tpu.memory_space<hbm>>
      %dma_start3A_204 = tpu.memref_squeeze %dma_start3A_203 : memref<1x32x8x64xf32, #tpu.memory_space<hbm>> -> memref<32x8x64xf32, #tpu.memory_space<hbm>>
      tpu.enqueue_dma source(%arg16 : memref<32x8x64xf32, #tpu.memory_space<vmem>>) target(%dma_start3A_204 : memref<32x8x64xf32, #tpu.memory_space<hbm>>) target_semaphore(%arg18 : memref<!tpu.dma_semaphore, #tpu.memory_space<semaphore_mem>>)
      %dma_wait3A_205 = arith.constant 32 : i32
      %dma_wait3A_206 = arith.constant 0 : i32
      %dma_wait3A_207 = arith.constant 0 : i32
      %dma_wait3A_208 = tpu.memref_slice %arg9[%add3A_110, %dma_wait3A_205, %dma_wait3A_206, %dma_wait3A_207] : memref<800x64x8x64xf32, #tpu.memory_space<hbm>> -> memref<1x32x8x64xf32, #tpu.memory_space<hbm>>
      %dma_wait3A_209 = tpu.memref_squeeze %dma_wait3A_208 : memref<1x32x8x64xf32, #tpu.memory_space<hbm>> -> memref<32x8x64xf32, #tpu.memory_space<hbm>>
      %dma_wait3A_210 = arith.constant 32 : i32
      %dma_wait3A_211 = arith.constant 0 : i32
      %dma_wait3A_212 = arith.constant 0 : i32
      %dma_wait3A_213 = tpu.memref_slice %arg9[%add3A_110, %dma_wait3A_210, %dma_wait3A_211, %dma_wait3A_212] : memref<800x64x8x64xf32, #tpu.memory_space<hbm>> -> memref<1x32x8x64xf32, #tpu.memory_space<hbm>>
      %dma_wait3A_214 = tpu.memref_squeeze %dma_wait3A_213 : memref<1x32x8x64xf32, #tpu.memory_space<hbm>> -> memref<32x8x64xf32, #tpu.memory_space<hbm>>
      tpu.wait_dma2 semaphore(%arg19 : memref<!tpu.dma_semaphore, #tpu.memory_space<semaphore_mem>>) src(%arg17 : memref<32x8x64xf32, #tpu.memory_space<vmem>>) dst(%dma_wait3A_214 : memref<32x8x64xf32, #tpu.memory_space<hbm>>)
      tpu.vector_store_idx %arg17[%min3A_108, %and3A_18, %min3A_58], %broadcast_in_dim3A_24 masked %and3A_99 : memref<32x8x64xf32, #tpu.memory_space<vmem>>[vector<16xi32>, vector<16xi32>, vector<16xi32>], vector<16xf32>, vector<16xi1>
      %ge3A_215 = arith.constant 32 : i32
      %ge3A_216 = vector.broadcast %ge3A_215 : i32 to vector<16xi32>
      %ge3A_217 = arith.cmpi sge, %min3A_175, %ge3A_216 : vector<16xi32>
      %lt3A_218 = arith.constant 64 : i32
      %lt3A_219 = vector.broadcast %lt3A_218 : i32 to vector<16xi32>
      %lt3A_220 = arith.cmpi slt, %min3A_175, %lt3A_219 : vector<16xi32>
      %and3A_221 = arith.andi %ge3A_217, %lt3A_220 : vector<16xi1>
      %and3A_222 = arith.andi %and3A_163, %and3A_221 : vector<16xi1>
      %sub3A_223 = arith.constant 32 : i32
      %sub3A_224 = vector.broadcast %sub3A_223 : i32 to vector<16xi32>
      %sub3A_225 = arith.subi %min3A_175, %sub3A_224 : vector<16xi32>
      %jit3A_226 = arith.constant 0 : i32
      %jit3A_227 = arith.constant 31 : i32
      %max3A_228 = vector.broadcast %jit3A_226 : i32 to vector<16xi32>
      %max3A_229 = arith.maxsi %max3A_228, %sub3A_225 : vector<16xi32>
      %min3A_230 = vector.broadcast %jit3A_227 : i32 to vector<16xi32>
      %min3A_231 = arith.minsi %min3A_230, %max3A_229 : vector<16xi32>
      tpu.vector_store_idx %arg17[%min3A_231, %and3A_18, %min3A_169], %broadcast_in_dim3A_22 masked %and3A_222 : memref<32x8x64xf32, #tpu.memory_space<vmem>>[vector<16xi32>, vector<16xi32>, vector<16xi32>], vector<16xf32>, vector<16xi1>
      %add3A_232 = arith.constant 1 : i32
      %add3A_233 = arith.addi %mul3A_4, %add3A_232 : i32
      %dma_start3A_234 = arith.constant 32 : i32
      %dma_start3A_235 = arith.constant 0 : i32
      %dma_start3A_236 = arith.constant 0 : i32
      %dma_start3A_237 = tpu.memref_slice %arg9[%add3A_233, %dma_start3A_234, %dma_start3A_235, %dma_start3A_236] : memref<800x64x8x64xf32, #tpu.memory_space<hbm>> -> memref<1x32x8x64xf32, #tpu.memory_space<hbm>>
      %dma_start3A_238 = tpu.memref_squeeze %dma_start3A_237 : memref<1x32x8x64xf32, #tpu.memory_space<hbm>> -> memref<32x8x64xf32, #tpu.memory_space<hbm>>
      %dma_start3A_239 = arith.constant 32 : i32
      %dma_start3A_240 = arith.constant 0 : i32
      %dma_start3A_241 = arith.constant 0 : i32
      %dma_start3A_242 = tpu.memref_slice %arg9[%add3A_233, %dma_start3A_239, %dma_start3A_240, %dma_start3A_241] : memref<800x64x8x64xf32, #tpu.memory_space<hbm>> -> memref<1x32x8x64xf32, #tpu.memory_space<hbm>>
      %dma_start3A_243 = tpu.memref_squeeze %dma_start3A_242 : memref<1x32x8x64xf32, #tpu.memory_space<hbm>> -> memref<32x8x64xf32, #tpu.memory_space<hbm>>
      tpu.enqueue_dma source(%arg17 : memref<32x8x64xf32, #tpu.memory_space<vmem>>) target(%dma_start3A_243 : memref<32x8x64xf32, #tpu.memory_space<hbm>>) target_semaphore(%arg19 : memref<!tpu.dma_semaphore, #tpu.memory_space<semaphore_mem>>)
      %dma_wait3A_244 = arith.constant 0 : i32
      %dma_wait3A_245 = arith.constant 0 : i32
      %dma_wait3A_246 = arith.constant 0 : i32
      %dma_wait3A_247 = tpu.memref_slice %arg9[%add3A_194, %dma_wait3A_244, %dma_wait3A_245, %dma_wait3A_246] : memref<800x64x8x64xf32, #tpu.memory_space<hbm>> -> memref<1x32x8x64xf32, #tpu.memory_space<hbm>>
      %dma_wait3A_248 = tpu.memref_squeeze %dma_wait3A_247 : memref<1x32x8x64xf32, #tpu.memory_space<hbm>> -> memref<32x8x64xf32, #tpu.memory_space<hbm>>
      %dma_wait3A_249 = arith.constant 0 : i32
      %dma_wait3A_250 = arith.constant 0 : i32
      %dma_wait3A_251 = arith.constant 0 : i32
      %dma_wait3A_252 = tpu.memref_slice %arg9[%add3A_194, %dma_wait3A_249, %dma_wait3A_250, %dma_wait3A_251] : memref<800x64x8x64xf32, #tpu.memory_space<hbm>> -> memref<1x32x8x64xf32, #tpu.memory_space<hbm>>
      %dma_wait3A_253 = tpu.memref_squeeze %dma_wait3A_252 : memref<1x32x8x64xf32, #tpu.memory_space<hbm>> -> memref<32x8x64xf32, #tpu.memory_space<hbm>>
      tpu.wait_dma2 semaphore(%arg18 : memref<!tpu.dma_semaphore, #tpu.memory_space<semaphore_mem>>) src(%arg16 : memref<32x8x64xf32, #tpu.memory_space<vmem>>) dst(%dma_wait3A_253 : memref<32x8x64xf32, #tpu.memory_space<hbm>>)
      %dma_wait3A_254 = arith.constant 32 : i32
      %dma_wait3A_255 = arith.constant 0 : i32
      %dma_wait3A_256 = arith.constant 0 : i32
      %dma_wait3A_257 = tpu.memref_slice %arg9[%add3A_233, %dma_wait3A_254, %dma_wait3A_255, %dma_wait3A_256] : memref<800x64x8x64xf32, #tpu.memory_space<hbm>> -> memref<1x32x8x64xf32, #tpu.memory_space<hbm>>
      %dma_wait3A_258 = tpu.memref_squeeze %dma_wait3A_257 : memref<1x32x8x64xf32, #tpu.memory_space<hbm>> -> memref<32x8x64xf32, #tpu.memory_space<hbm>>
      %dma_wait3A_259 = arith.constant 32 : i32
      %dma_wait3A_260 = arith.constant 0 : i32
      %dma_wait3A_261 = arith.constant 0 : i32
      %dma_wait3A_262 = tpu.memref_slice %arg9[%add3A_233, %dma_wait3A_259, %dma_wait3A_260, %dma_wait3A_261] : memref<800x64x8x64xf32, #tpu.memory_space<hbm>> -> memref<1x32x8x64xf32, #tpu.memory_space<hbm>>
      %dma_wait3A_263 = tpu.memref_squeeze %dma_wait3A_262 : memref<1x32x8x64xf32, #tpu.memory_space<hbm>> -> memref<32x8x64xf32, #tpu.memory_space<hbm>>
      tpu.wait_dma2 semaphore(%arg19 : memref<!tpu.dma_semaphore, #tpu.memory_space<semaphore_mem>>) src(%arg17 : memref<32x8x64xf32, #tpu.memory_space<vmem>>) dst(%dma_wait3A_263 : memref<32x8x64xf32, #tpu.memory_space<hbm>>)
    } else {
    }
    return
  }
}

module attributes {stable_mosaic.version = 14 : i64} {
  func.func @_tc_body(%arg0: i32, %arg1: memref<800x64x8x64xf32, #tpu.memory_space<any>>, %arg2: memref<40x8xf32, #tpu.memory_space<vmem>>, %arg3: memref<40x8xf32, #tpu.memory_space<vmem>>, %arg4: memref<40x2xf32, #tpu.memory_space<vmem>>, %arg5: memref<40x2xf32, #tpu.memory_space<vmem>>, %arg6: memref<40x64x8x64xf32, #tpu.memory_space<vmem>>) attributes {dimension_semantics = [#tpu.dimension_semantics<arbitrary>], iteration_bounds = array<i64: 19>, scalar_prefetch = 0 : i64, scratch_operands = 0 : i64, tpu.core_type = #tpu.core_type<tc>, window_params = [{}, {transform_indices = @transform_1, window_bounds = array<i64: 40, 8>}, {transform_indices = @transform_2, window_bounds = array<i64: 40, 8>}, {transform_indices = @transform_3, window_bounds = array<i64: 40, 2>}, {transform_indices = @transform_4, window_bounds = array<i64: 40, 2>}, {transform_indices = @transform_5, window_bounds = array<i64: 40, 64, 8, 64>}]} {
    %get3A = arith.constant 0 : index
    %get3A_0 = arith.constant 0 : index
    %get3A_1 = vector.load %arg4[%get3A, %get3A_0] : memref<40x2xf32, #tpu.memory_space<vmem>>, vector<40x2xf32>
    %get3A_2 = arith.constant 0 : index
    %get3A_3 = arith.constant 0 : index
    %get3A_4 = vector.load %arg5[%get3A_2, %get3A_3] : memref<40x2xf32, #tpu.memory_space<vmem>>, vector<40x2xf32>
    %get3A_5 = arith.constant 0 : index
    %get3A_6 = arith.constant 0 : index
    %get3A_7 = vector.load %arg2[%get3A_5, %get3A_6] : memref<40x8xf32, #tpu.memory_space<vmem>>, vector<40x8xf32>
    %slice3A = vector.extract_strided_slice %get3A_1 {offsets = [0, 0], sizes = [40, 1], strides = [1, 1]} : vector<40x2xf32> to vector<40x1xf32>
    %div3A = vector.broadcast %slice3A : vector<40x1xf32> to vector<40x8xf32>
    %div3A_8 = arith.divf %get3A_7, %div3A : vector<40x8xf32>
    %slice3A_9 = vector.extract_strided_slice %get3A_4 {offsets = [0, 1], sizes = [40, 1], strides = [1, 1]} : vector<40x2xf32> to vector<40x1xf32>
    %add3A = vector.broadcast %slice3A_9 : vector<40x1xf32> to vector<40x8xf32>
    %add3A_10 = arith.addf %div3A_8, %add3A : vector<40x8xf32>
    %convert_element_type3A = arith.fptosi %add3A_10 : vector<40x8xf32> to vector<40x8xi32>
    %get3A_11 = arith.constant 0 : index
    %get3A_12 = arith.constant 0 : index
    %get3A_13 = vector.load %arg3[%get3A_11, %get3A_12] : memref<40x8xf32, #tpu.memory_space<vmem>>, vector<40x8xf32>
    %slice3A_14 = vector.extract_strided_slice %get3A_1 {offsets = [0, 1], sizes = [40, 1], strides = [1, 1]} : vector<40x2xf32> to vector<40x1xf32>
    %div3A_15 = vector.broadcast %slice3A_14 : vector<40x1xf32> to vector<40x8xf32>
    %div3A_16 = arith.divf %get3A_13, %div3A_15 : vector<40x8xf32>
    %slice3A_17 = vector.extract_strided_slice %get3A_4 {offsets = [0, 0], sizes = [40, 1], strides = [1, 1]} : vector<40x2xf32> to vector<40x1xf32>
    %add3A_18 = vector.broadcast %slice3A_17 : vector<40x1xf32> to vector<40x8xf32>
    %add3A_19 = arith.addf %div3A_16, %add3A_18 : vector<40x8xf32>
    %convert_element_type3A_20 = arith.fptosi %add3A_19 : vector<40x8xf32> to vector<40x8xi32>
    %ge3A = arith.constant 0 : i32
    %ge3A_21 = vector.broadcast %ge3A : i32 to vector<40x8xi32>
    %ge3A_22 = arith.cmpi sge, %convert_element_type3A, %ge3A_21 : vector<40x8xi32>
    %lt3A = arith.constant 64 : i32
    %lt3A_23 = vector.broadcast %lt3A : i32 to vector<40x8xi32>
    %lt3A_24 = arith.cmpi slt, %convert_element_type3A, %lt3A_23 : vector<40x8xi32>
    %and3A = arith.andi %ge3A_22, %lt3A_24 : vector<40x8xi1>
    %ge3A_25 = arith.constant 0 : i32
    %ge3A_26 = vector.broadcast %ge3A_25 : i32 to vector<40x8xi32>
    %ge3A_27 = arith.cmpi sge, %convert_element_type3A_20, %ge3A_26 : vector<40x8xi32>
    %and3A_28 = arith.andi %and3A, %ge3A_27 : vector<40x8xi1>
    %lt3A_29 = arith.constant 64 : i32
    %lt3A_30 = vector.broadcast %lt3A_29 : i32 to vector<40x8xi32>
    %lt3A_31 = arith.cmpi slt, %convert_element_type3A_20, %lt3A_30 : vector<40x8xi32>
    %and3A_32 = arith.andi %and3A_28, %lt3A_31 : vector<40x8xi1>
    %jit3A = arith.constant -1 : i32
    %broadcast_in_dim3A = vector.broadcast %jit3A : i32 to vector<40x8xi32>
    %select_n3A = arith.select %and3A_32, %convert_element_type3A_20, %broadcast_in_dim3A : vector<40x8xi1>, vector<40x8xi32>
    %iota3A = tpu.iota {dimensions = array<i32: 1>} : vector<40x64x8x64xi32>
    %iota3A_33 = tpu.iota {dimensions = array<i32: 3>} : vector<40x64x8x64xi32>
    %broadcast_in_dim3A_34 = vector.shape_cast %select_n3A : vector<40x8xi32> to vector<40x1x8x1xi32>
    %eq3A = vector.broadcast %broadcast_in_dim3A_34 : vector<40x1x8x1xi32> to vector<40x64x8x64xi32>
    %eq3A_35 = arith.cmpi eq, %iota3A, %eq3A : vector<40x64x8x64xi32>
    %broadcast_in_dim3A_36 = vector.shape_cast %convert_element_type3A : vector<40x8xi32> to vector<40x1x8x1xi32>
    %eq3A_37 = vector.broadcast %broadcast_in_dim3A_36 : vector<40x1x8x1xi32> to vector<40x64x8x64xi32>
    %eq3A_38 = arith.cmpi eq, %iota3A_33, %eq3A_37 : vector<40x64x8x64xi32>
    %and3A_39 = arith.andi %eq3A_35, %eq3A_38 : vector<40x64x8x64xi1>
    %convert_element_type3A_40 = arith.extui %and3A_39 : vector<40x64x8x64xi1> to vector<40x64x8x64xi32>
    %convert_element_type3A_41 = arith.sitofp %convert_element_type3A_40 : vector<40x64x8x64xi32> to vector<40x64x8x64xf32>
    %swap3A = arith.constant 0 : index
    %swap3A_42 = arith.constant 0 : index
    %swap3A_43 = arith.constant 0 : index
    %swap3A_44 = arith.constant 0 : index
    %swap3A_45 = vector.load %arg6[%swap3A, %swap3A_42, %swap3A_43, %swap3A_44] : memref<40x64x8x64xf32, #tpu.memory_space<vmem>>, vector<40x64x8x64xf32>
    tpu.vector_store %arg6[%swap3A, %swap3A_42, %swap3A_43, %swap3A_44], %convert_element_type3A_41 {strides = array<i32>} : memref<40x64x8x64xf32, #tpu.memory_space<vmem>>, vector<40x64x8x64xf32>,
    return
  }
  func.func @transform_1(%arg0: i32) -> (i32, i32) {
    %add3A = arith.constant 1 : i32
    %add3A_0 = arith.addi %arg0, %add3A : i32
    %c0_i32 = arith.constant 0 : i32
    %c0_i32_1 = arith.constant 0 : i32
    return %add3A_0, %c0_i32 : i32, i32
  }
  func.func @transform_2(%arg0: i32) -> (i32, i32) {
    %add3A = arith.constant 1 : i32
    %add3A_0 = arith.addi %arg0, %add3A : i32
    %c0_i32 = arith.constant 0 : i32
    %c0_i32_1 = arith.constant 0 : i32
    return %add3A_0, %c0_i32 : i32, i32
  }
  func.func @transform_3(%arg0: i32) -> (i32, i32) {
    %add3A = arith.constant 1 : i32
    %add3A_0 = arith.addi %arg0, %add3A : i32
    %c0_i32 = arith.constant 0 : i32
    %c0_i32_1 = arith.constant 0 : i32
    return %add3A_0, %c0_i32 : i32, i32
  }
  func.func @transform_4(%arg0: i32) -> (i32, i32) {
    %add3A = arith.constant 1 : i32
    %add3A_0 = arith.addi %arg0, %add3A : i32
    %c0_i32 = arith.constant 0 : i32
    %c0_i32_1 = arith.constant 0 : i32
    return %add3A_0, %c0_i32 : i32, i32
  }
  func.func @transform_5(%arg0: i32) -> (i32, i32, i32, i32) {
    %add3A = arith.constant 1 : i32
    %add3A_0 = arith.addi %arg0, %add3A : i32
    %c0_i32 = arith.constant 0 : i32
    %c0_i32_1 = arith.constant 0 : i32
    %c0_i32_2 = arith.constant 0 : i32
    %c0_i32_3 = arith.constant 0 : i32
    return %add3A_0, %c0_i32, %c0_i32_1, %c0_i32_2 : i32, i32, i32, i32
  }
}

</mosaic_0001>

<sc_bundles>
// kernel: kernel.4.cloned.1.call-start
scs
__scs_entry_jumppad:
0x0: {  	(pc) =	sbr.rel $0x88, $3  }
0x1: {  	(tag) =	ssettag $0x0;
	lr =	simm.s32 $0x1  }
0x2: {  	[smem:$0x3F9E] =	sst lr;
	_ =	strace $0xD0000000  }
0x3: {  	_ = 	snop  }
0x4: {  	_ = 	snop  }
0x5: {  	_ = 	snop  }
0x6: {  	_ = 	snop  }
0x7: {  	_ = 	snop  }
__scs_overlays_trampoline_lowered:
0x8: {  	[smem:$0x3FAD] =	sst s0  }
0x9: {  	[smem:$0x3FAE] =	sst s1  }
0xa: {  	[smem:$0x3FAF] =	sst s2  }
0xb: {  	[smem:$0x3FB0] =	sst s3  }
0xc: {  	[smem:$0x3FB1] =	sst s4  }
0xd: {  	[smem:$0x3FB2] =	sst s5  }
0xe: {  	[smem:$0x3FB3] =	sst s6  }
0xf: {  	[smem:$0x3FB4] =	sst s7  }
0x10: {  	[smem:$0x3FB5] =	sst s8  }
0x11: {  	[smem:$0x3FB6] =	sst s9;
	s0 =	simm.s32 @!p0 $0x0  }
0x12: {  	s1 =	sld [smem:$0x3F9C];
	s0 =	simm.s32 @p0 $0x1  }
0x13: {  	[smem:$0x3FB7] =	sst s0;
	s0 =	simm.s32 @!p1 $0x0  }
0x14: {  	s2 =	sld [smem:$0x3F9B];
	s0 =	simm.s32 @p1 $0x1  }
0x15: {  	[smem:$0x3FB8] =	sst s0;
	s0 =	simm.s32 @!p2 $0x0  }
0x16: {  	s3 =	sld [smem:$0x3FDB];
	s0 =	simm.s32 @p2 $0x1  }
0x17: {  	s4 =	simm.s32 $0x1BF5;
	[smem:$0x3FBA] =	sst s0  }
0x18: {  	s0 =	sld [smem:$0x3F9D];
	_ =	swait.ge [sflag:s4], $0x0  }
0x19: {  	s7 =	sld [smem:$0x3F9E]  }
0x1a: {  	s8 =	sadd.s32 $0xFFFFE003, lr  }
0x1b: {  	s9 =	sadd.s32 $0xFFFFFEF7, lr;
	s5 =	simm.s32 $0xFFFFFFFF;
	p2 =	slt.u32 s8, $0xFFFFF086  }
0x1c: {  	p1 =	slt.u32 s9, $0xF7A;
	s5 =	simm.s32 @!p2 $0x0  }
0x1d: {  	s5 =	simm.s32 @p1 $0x1;
	p0 =	seq.s32 s7, s2  }
0x1e: {  	s7 =	smul.u32 @!p0 $0xF7A, s2;
	p2 =	seq.s32 @!p0 s5, $0x0  }
0x1f: {  	s9 =	smul.u32 $0xF7A, s1;
	s8 =	simm.s32 @!p0 $0x1BF5;
	p2 =	por !p2, p0  }
0x20: {  	[sflag:s8] =	ssyncset.s32 @!p0 $0xFFFFF086;
	s6 =	sadd.s32 @!p0 s3, s7;
	s7 =	simm.s32 @!p0 $0x108  }
0x21: {  	s3 =	sadd.s32 s3, s9;
	s6 =	sadd.s32 @!p0 $0x88, s6;
	s7 =	simm.s32 @p2 $0x1082  }
0x22: {  	[simem:s7], [sflag:s8] =	dma.local @!p0 [hbm:s6], $0xF7A  }
0x23: {  	s9 =	sor.u32 $0xD0000000, s2;
	s6 =	simm.s32 $0x108;
	_ =	swait.ge @!p0 [sflag:s8], $0x0  }
0x24: {  	s3 =	sadd.s32 $0x88, s3;
	s6 =	simm.s32 @!p1 $0x1082;
	[sflag:s4] =	ssyncset.s32 $0xFFFFF086  }
0x25: {  	[simem:s6], [sflag:s4] =	dma.local [hbm:s3], $0xF7A  }
0x26: {  	[smem:$0x3F9E] =	sst s1;
	(tag) =	ssettag s2;
	_ =	strace s9  }
0x27: {  	s1 =	sld [smem:$0x3FAE]  }
0x28: {  	s2 =	sld [smem:$0x3FAF]  }
0x29: {  	s4 =	sld [smem:$0x3FB1]  }
0x2a: {  	p0 =	seq.s32 s5, $0x0;
	s5 =	sld [smem:$0x3FB2]  }
0x2b: {  	s6 =	sld [smem:$0x3FB3]  }
0x2c: {  	s7 =	sld [smem:$0x3FB4]  }
0x2d: {  	s3 =	simm.s32 $0x108;
	s8 =	sld [smem:$0x3FB5]  }
0x2e: {  	s3 =	simm.s32 @!p0 $0x1082;
	s9 =	sld [smem:$0x3FB6]  }
0x2f: {  	lr =	sadd.s32 s0, s3;
	s0 =	sld [smem:$0x3FAD]  }
0x30: {  	s3 =	sld [smem:$0x3FB0]  }
0x31: {  	[smem:$0x3FB9] =	sst s10  }
0x32: {  	s10 =	sld [smem:$0x3FB7];
	_ =	sdelay $0x3  }
0x33: {  	p0 =	seq.s32 s10, $0x1;
	s10 =	sld [smem:$0x3FB9];
	_ =	sdelay $0x3  }
0x34: {  	[smem:$0x3FB9] =	sst s10  }
0x35: {  	s10 =	sld [smem:$0x3FB8];
	_ =	sdelay $0x3  }
0x36: {  	p1 =	seq.s32 s10, $0x1;
	s10 =	sld [smem:$0x3FB9];
	_ =	sdelay $0x3  }
0x37: {  	[smem:$0x3FB9] =	sst s10  }
0x38: {  	s10 =	sld [smem:$0x3FBA]  }
0x39: {  	_ = 	snop;
	(pc) =	sbr.ind lr, $3  }
0x3a: {  	_ = 	snop  }
0x3b: {  	_ = 	snop  }
0x3c: {  	p2 =	seq.s32 s10, $0x1;
	s10 =	sld [smem:$0x3FB9]  }
0x3d: {  	_ =	shalt  }
0x3e: {  	_ =	shalt  }
0x3f: {  	_ =	shalt  }
0x40: {  	_ =	shalt  }
0x41: {  	_ =	shalt  }
0x42: {  	_ =	shalt  }
0x43: {  	_ =	shalt  }
0x44: {  	_ =	shalt  }
0x45: {  	_ =	shalt  }
0x46: {  	_ =	shalt  }
0x47: {  	_ =	shalt  }
0x48: {  	_ =	shalt  }
0x49: {  	_ =	shalt  }
0x4a: {  	_ =	shalt  }
0x4b: {  	_ =	shalt  }
0x4c: {  	_ =	shalt  }
0x4d: {  	_ =	shalt  }
0x4e: {  	_ =	shalt  }
0x4f: {  	_ =	shalt  }
0x50: {  	_ =	shalt  }
0x51: {  	_ =	shalt  }
0x52: {  	_ =	shalt  }
0x53: {  	_ =	shalt  }
0x54: {  	_ =	shalt  }
0x55: {  	_ =	shalt  }
0x56: {  	_ =	shalt  }
0x57: {  	_ =	shalt  }
0x58: {  	_ =	shalt  }
0x59: {  	_ =	shalt  }
0x5a: {  	_ =	shalt  }
0x5b: {  	_ =	shalt  }
0x5c: {  	_ =	shalt  }
0x5d: {  	_ =	shalt  }
0x5e: {  	_ =	shalt  }
0x5f: {  	_ =	shalt  }
0x60: {  	_ =	shalt  }
0x61: {  	_ =	shalt  }
0x62: {  	_ =	shalt  }
0x63: {  	_ =	shalt  }
0x64: {  	_ =	shalt  }
0x65: {  	_ =	shalt  }
0x66: {  	_ =	shalt  }
0x67: {  	_ =	shalt  }
0x68: {  	_ =	shalt  }
0x69: {  	_ =	shalt  }
0x6a: {  	_ =	shalt  }
0x6b: {  	_ =	shalt  }
0x6c: {  	_ =	shalt  }
0x6d: {  	_ =	shalt  }
0x6e: {  	_ =	shalt  }
0x6f: {  	_ =	shalt  }
0x70: {  	_ =	shalt  }
0x71: {  	_ =	shalt  }
0x72: {  	_ =	shalt  }
0x73: {  	_ =	shalt  }
0x74: {  	_ =	shalt  }
0x75: {  	_ =	shalt  }
0x76: {  	_ =	shalt  }
0x77: {  	_ =	shalt  }
0x78: {  	_ =	shalt  }
0x79: {  	_ =	shalt  }
0x7a: {  	_ =	shalt  }
0x7b: {  	_ =	shalt  }
0x7c: {  	_ =	shalt  }
0x7d: {  	_ =	shalt  }
0x7e: {  	_ =	shalt  }
0x7f: {  	_ =	shalt  }
0x80: {  	_ =	shalt  }
0x81: {  	_ =	shalt  }
0x82: {  	_ =	shalt  }
0x83: {  	_ =	shalt  }
0x84: {  	_ =	shalt  }
0x85: {  	_ =	shalt  }
0x86: {  	_ =	shalt  }
0x87: {  	_ =	shalt  }
.Lfunc_end0:
.L_simem_size_0:
called_computation_lowered:
.L_overlay_start_0:
0x88: {  	s2 =	sld [smem:$0x3FD9]  }
0x89: {  	s3 =	sld [smem:$0x3FFE];
	_ =	sdelay $0x1  }
0x8a: {  	s1 =	srdreg.scid  }
0x8b: {  	s0 =	sand.u32 $0x1, s1  }
0x8c: {  	s17 =	sshll.u32 s0, $0xA;
	s2 =	sadd.s32 s3, s2  }
0x8d: {  	s2 =	sadd.s32 s2, s17  }
0x8e: {  	[smem:$0x3FC5] =	sst s2  }
0x8f: {  	_ = 	snop  }
0x90: {  	s2 =	sld [smem:$0x3FD0];
	(tm) =	ssettm $0x1  }
0x91: {  	s18 =	sld [smem:$0x3FFB];
	_ =	sdelay $0x3  }
0x92: {  	_ =	strace s18  }
0x93: {  	s3 =	sld [smem:$0x3FFC];
	_ =	sdelay $0x3  }
0x94: {  	_ =	strace s3  }
0x95: {  	s3 =	sld [smem:$0x3FFD];
	_ =	sdelay $0x3  }
0x96: {  	_ =	strace s3  }
0x97: {  	_ =	strace $0x8FFFFFFF  }
0x98: {  	s19 =	sld [smem:$0x3FDB];
	_ =	sdelay $0x1  }
0x99: {  	s4 =	simm.s32 $_scs_section_size  }
0x9a: {  	s5 =	simm.s32 $_size__tile_overlayer_lowered;
	s6 =	simm.s32 $_tile_overlayer_lowered  }
0x9b: {  	s22 =	simm.s32 $0x1BFF;
	s21 =	sshll.u32 s6, $0x1;
	s3 =	sadd.s32 s4, s19  }
0x9c: {  	s7 =	simm.s32 $0x0;
	s20 =	sshll.u32 s5, $0x1;
	s5 =	sadd.s32 s21, s3  }
0x9d: {  	[timem:s7], [sflag:s22] =	dma.local [hbm:s5], s20  }
0x9e: {  	_ =	swait.ge [sflag:s22], s20  }
0x9f: {  	s4 =	ssub.s32 $0x0, s20;
	[sflag:s22] =	ssyncset.done $0x0  }
0xa0: {  	[sflag:s22] =	ssyncadd.s32 s4;
	_ =	sdelay $0x1  }
0xa1: {  	s23 =	simm.s32 $0x1B8B  }
0xa2: {  	_ =	swait.ge [sflag:s23], $0x1  }
0xa3: {  	[sflag:s23] =	ssyncset.done $0x0  }
0xa4: {  	s25 =	simm.s32 $0x1B8E;
	s24 =	sld [smem:$0x3FFE];
	[sflag:s23] =	ssyncadd.s32 $0xFFFFFFFF  }
0xa5: {  	s26 =	simm.s32 $execute0_lowered;
	[smem:$0x3FD2] =	sst s25  }
0xa6: {  	s5 =	sshll.u32 s26, $0x1;
	_ =	strace $0x80000046;
	[dreg:$0x1] =	wrdreg $0xFFFFFFFF  }
0xa7: {  	s28 =	simm.s32 $_size_execute0_lowered;
	s3 =	sadd.s32 s3, s5;
	[dreg:$0x0] =	wrdreg $0x0  }
0xa8: {  	s5 =	sshll.u32 s28, $0x1;
	[dreg:$0x2] =	wrdreg s3  }
0xa9: {  	[dreg:$0x3] =	wrdreg s5  }
0xaa: {  	[dreg:$0x4] =	wrdreg $0xC0  }
0xab: {  	_ =	task [dreg:s7], $0x5FFFF  }
0xac: {  	[dreg:$0x1] =	wrdreg $0xFFFFFFFF  }
0xad: {  	[dreg:$0x0] =	wrdreg $0x60  }
0xae: {  	[dreg:$0x2] =	wrdreg s24  }
0xaf: {  	[dreg:$0x3] =	wrdreg s2  }
0xb0: {  	[dreg:$0x4] =	wrdreg $0x9  }
0xb1: {  	_ =	task.clear_ibuf [dreg:s7], $0x5FFFF;
	_ =	strace $0x90000046  }
0xb2: {  	s29 =	simm.s32 $0x9;
	_ =	strace $0x80000048  }
0xb3: {  	_ =	swait.ge [sflag:s29], $0x1  }
0xb4: {  	[sflag:s29] =	ssyncadd.s32 $0xFFFFFFFF  }
0xb5: {  	_ =	strace $0x90000048  }
0xb6: {  	_ =	sfence  }
0xb7: {  	s30 =	sld [smem:$0x0];
	_ =	sdelay $0x2  }
0xb8: {  	s31 =	sshll.u32 s1, $0xD;
	s1 =	sshrl.u32 s1, $0x2  }
0xb9: {  	s3 =	sand.u32 $0x4000, s31;
	s1 =	sadd.s32 s1, s30  }
0xba: {  	s0 =	sor.u32 s3, s0;
	s1 =	sshll.u32 s1, $0x11  }
0xbb: {  	s0 =	sor.u32 s1, s0  }
0xbc: {  	s0 =	sadd.s32 $0x8F2B, s0  }
0xbd: {  	[sflag:s0] =	ssyncadd.remote.s32 $0x1  }
0xbe: {  	_ =	sfence.sel $0xFFFF  }
0xbf: {  	[dreg:$0x0] =	wrdreg $0xFFFFFFFF;
	(pc) =	sbr.abs _section_cstart, $3  }
0xc0: {  	[dreg:$0x1] =	wrdreg $0xFFFFFFFF  }
0xc1: {  	_ =	task.clear_ibuf [dreg:s7], $0x2FFFF;
	_ =	strace $0x9FFFFFFF  }
0xc2: {  	(tm) =	ssettm $0x7FFFFFFF  }
0xc3: {  	_ =	shalt  }
tec
execute0_lowered:
.L_overlay_start_1:
0x0: {  	(tag) =	ssettag $0x1  }
0x1: {  	s1 =	stileid.u32  }
0x2: {  	p0 =	sgt.u32 s1, $0x9  }
.Ltmp0:
0x3: {  	_ = 	snop;
	(pc) =	sbr.rel @p0 .LBB2_3-.Ltmp0, $4  }
0x4: {  	s3 =	rddreg [dreg:$0x0]  }
0x5: {  	s8 =	rddreg [dreg:$0x1];
	s2 =	simm.s32 $0x0  }
0x6: {  	[smem:$0x7FF] =	sst s2  }
0x7: {  	s0 =	rddreg [dreg:$0x2];
	_ =	strace $0x80000047  }
0x8: {  	s4 =	srdreg.scid;
	s31 =	sshll.u32 s1, $0x1;
	s14 =	sadd.s32 $0x2C00, s3  }
0x9: {  	s17 =	simm.s32 $0x100;
	s18 =	simm.s32 $0x180;
	s19 =	simm.s32 $0x200  }
0xa: {  	s20 =	simm.s32 $0x280;
	s21 =	simm.s32 $0x300;
	s9 =	sand.u32 $0x1, s4  }
0xb: {  	s22 =	simm.s32 $0x8300;
	s23 =	simm.s32 $0x1;
	s7 =	sor.u32 s9, s31  }
0xc: {  	s24 =	simm.s32 $0x2;
	s15 =	ssub.s32 $0x2, s9;
	s13 =	sshll.u32 s7, $0x2  }
0xd: {  	s11 =	sshll.u32 s7, $0xE;
	s16 =	sshrl.u32 s15, $0x1;
	s10 =	sadd.s32 s13, s3  }
0xe: {  	v0 =	vlaneseq.u32;
	s3 =	sadd.s32 $0x2E00, s3;
	s8 =	sadd.s32 s8, s11;
	s15 =	ssub.s32 s15, s16  }
0xf: {  	v0 =	vand.u32 $0x7, v0;
	s13 =	sadd.s32 s14, s13;
	s16 =	simm.s32 $0x80;
	s4 =	sadd.s32 $0x2A00, s10  }
0x10: {  	v0 =	vmul.u32 $0x80, v0;
	s5 =	sadd.s32 $0x2000, s10;
	s6 =	sadd.s32 $0x1C00, s10;
	s7 =	sadd.s32 $0x1E00, s10  }
0x11: {  	vm0 =	vmmov $0xff;
	s9 =	sadd.s32 $0x1A00, s10;
	s10 =	sadd.s32 $0x1000, s8;
	s11 =	sadd.s32 $0x2000, s8  }
0x12: {  	v1 =	vimm.f32 $1.000000000e+00;
	v3 =	vimm.f32 $0.0e+00;
	v2 =	vor.u32 $0xFFFF8000, v0;
	s12 =	sadd.s32 $0x3000, s8;
	s14 =	smax.u32 s15, $0x1;
	s15 =	simm.s32 $0x3  }
.LBB2_2:
0x13: {  	[tilespmem:s2], [sflag:$0x3] =	stream.linear.gather [hbm4b:s13+s2], $0x20, $0x38;
	[tilespmem:$0x10300] =	vst v63  }
0x14: {  	_ =	swait.ge [sflag:s15], $0x20  }
0x15: {  	[sflag:s15] =	ssyncset.done $0x0  }
0x16: {  	[sflag:s15] =	ssyncadd.s32 $0xFFFFFFE0  }
0x17: {  	[tilespmem:s16], [sflag:$0x3] =	stream.linear.gather [hbm4b:s4+s2], $0x20, $0x38;
	[tilespmem:$0x10300] =	vst v63  }
0x18: {  	_ =	swait.ge [sflag:s15], $0x20  }
0x19: {  	[sflag:s15] =	ssyncset.done $0x0  }
0x1a: {  	[sflag:s15] =	ssyncadd.s32 $0xFFFFFFE0  }
0x1b: {  	[tilespmem:s17], [sflag:$0x3] =	stream.linear.gather [hbm4b:s5+s2], $0x20, $0x38;
	[tilespmem:$0x10300] =	vst v63  }
0x1c: {  	_ =	swait.ge [sflag:s15], $0x20  }
0x1d: {  	[sflag:s15] =	ssyncset.done $0x0  }
0x1e: {  	[sflag:s15] =	ssyncadd.s32 $0xFFFFFFE0  }
0x1f: {  	[tilespmem:s18], [sflag:$0x3] =	stream.linear.gather [hbm4b:s6+s2], $0x20, $0x38;
	[tilespmem:$0x10300] =	vst v63  }
0x20: {  	_ =	swait.ge [sflag:s15], $0x20  }
0x21: {  	[sflag:s15] =	ssyncset.done $0x0  }
0x22: {  	[sflag:s15] =	ssyncadd.s32 $0xFFFFFFE0  }
0x23: {  	[tilespmem:s19], [sflag:$0x3] =	stream.linear.gather [hbm4b:s7+s2], $0x20, $0x38;
	[tilespmem:$0x10300] =	vst v63  }
0x24: {  	_ =	swait.ge [sflag:s15], $0x20  }
0x25: {  	[sflag:s15] =	ssyncset.done $0x0  }
0x26: {  	[sflag:s15] =	ssyncadd.s32 $0xFFFFFFE0  }
0x27: {  	[tilespmem:s20], [sflag:$0x3] =	stream.linear.gather [hbm4b:s9+s2], $0x20, $0x38;
	[tilespmem:$0x10300] =	vst v63  }
0x28: {  	_ =	swait.ge [sflag:s15], $0x20  }
0x29: {  	[sflag:s15] =	ssyncset.done $0x0  }
0x2a: {  	[sflag:s15] =	ssyncadd.s32 $0xFFFFFFE0  }
0x2b: {  	[tilespmem:s21], [sflag:$0x3] =	stream.linear.gather [hbm4b:s3+s2], $0x8000, $0x38;
	[tilespmem:$0x10300] =	vst v63  }
0x2c: {  	_ =	swait.ge [sflag:s15], $0x8000  }
0x2d: {  	[sflag:s15] =	ssyncset.done $0x0  }
0x2e: {  	[sflag:s15] =	ssyncadd.s32 $0xFFFF8000  }
0x2f: {  	[tilespmem:s22], [sflag:$0x3] =	stream.linear.gather [hbm4b:s3+s2], $0x8000, $0x38;
	[tilespmem:$0x10300] =	vst v63  }
0x30: {  	_ =	swait.ge [sflag:s15], $0x8000  }
0x31: {  	[sflag:s15] =	ssyncset.done $0x0  }
0x32: {  	[sflag:s15] =	ssyncadd.s32 $0xFFFF8000  }
0x33: {  	v4 =	vld [tilespmem:$0x100]  }
0x34: {  	v5 =	vld [tilespmem:$0x180];
	_ =	sdelay $0x3  }
0x35: {  	(erf) = vrcp.f32 v4  }
0x36: {  	(erf) = vrcp.f32 v5;
	_ =	sdelay $0x3  }
0x37: {  	v4 =	vld [tilespmem:$0x0]  }
0x38: {  	v5 =	vld [tilespmem:$0x80]  }
0x39: {  	v6 =	vld [tilespmem:$0x200]  }
0x3a: {  	v7 =	vld [tilespmem:$0x280]  }
0x3b: {  	v8 =	vpop (erf)  }
0x3c: {  	v9 =	vpop (erf)  }
0x3d: {  	v4 =	vmul.f32 v8, v4;
	v5 =	vmul.f32 v9, v5;
	_ =	sdelay $0x1  }
0x3e: {  	v4 =	vadd.f32 v4, v6;
	v5 =	vadd.f32 v5, v7;
	_ =	sdelay $0x1  }
0x3f: {  	v4 =	vtrunc.f32 v4;
	v5 =	vtrunc.f32 v5  }
0x40: {  	v4 =	vcvt.f32.s32 v4;
	v5 =	vcvt.f32.s32 v5;
	_ =	sdelay $0x1  }
0x41: {  	vm3 =	vgt.s32 v4, $0x0;
	v53 =	vor.u32 v4, v5;
	vm2 =	vgt.s32 v5, $0x0  }
0x42: {  	v4 =	vnsel vm3, $0x0, v4;
	vm1 =	vlt.u32 v53, $0x40;
	v54 =	vnsel vm2, $0x0, v5  }
0x43: {  	vm2 =	vlt.s32 v5, $0x20;
	v4 =	vmin.u32 v4, $0x3F;
	v6 =	vmin.u32 v54, $0x1F  }
0x44: {  	vm1 =	vmand vm1, vm0;
	v55 =	vsel vm2, $0x20, v5;
	v6 =	vshll.u32 v6, $0xA  }
0x45: {  	vm2 =	vmand vm2, vm1;
	v7 =	vmin.u32 v55, $0x3F;
	v6 =	vor.u32 v4, v6  }
0x46: {  	vm3 =	vgt.s32 v5, $0x1F;
	v5 =	vshll.u32 v7, $0xA;
	v6 =	vor.u32 v0, v6  }
0x47: {  	vm1 =	vmand vm3, vm1;
	v4 =	vor.u32 v4, v5  }
0x48: {  	v4 =	vadd.s32 v2, v4;
	_ =	sdelay $0x2  }
0x49: {  	[tilespmem:v6+s21+$0x0] =	vst.idx.msk vm2, v1  }
0x4a: {  	[hbm4b:s8+s2] =	stream.linear.scatter [tilespmem:s21], [sflag:$0x1], $0x8000, $0x38;
	[tilespmem:$0x10300] =	vst v63  }
0x4b: {  	[tilespmem:v4+s22+$0x0] =	vst.idx.msk vm1, v1  }
0x4c: {  	[hbm4b:s10+s2] =	stream.linear.scatter [tilespmem:s22], [sflag:$0x2], $0x8000, $0x38;
	[tilespmem:$0x10300] =	vst v63  }
0x4d: {  	_ =	swait.ge [sflag:s23], $0x8000  }
0x4e: {  	[sflag:s23] =	ssyncset.done $0x0  }
0x4f: {  	[sflag:s23] =	ssyncadd.s32 $0xFFFF8000  }
0x50: {  	[tilespmem:v6+s21+$0x0] =	vst.idx.msk vm2, v3  }
0x51: {  	v5 =	vld [tilespmem:$0x110]  }
0x52: {  	v6 =	vld [tilespmem:$0x190];
	_ =	sdelay $0x3  }
0x53: {  	(erf) = vrcp.f32 v5  }
0x54: {  	(erf) = vrcp.f32 v6;
	_ =	sdelay $0x3  }
0x55: {  	v56 =	vld [tilespmem:$0x90]  }
0x56: {  	v5 =	vld [tilespmem:$0x10]  }
0x57: {  	v57 =	vld [tilespmem:$0x210]  }
0x58: {  	v58 =	vld [tilespmem:$0x290]  }
0x59: {  	v59 =	vpop (erf)  }
0x5a: {  	v10 =	vpop (erf)  }
0x5b: {  	v5 =	vmul.f32 v59, v5;
	v6 =	vmul.f32 v10, v56;
	_ =	sdelay $0x1  }
0x5c: {  	v5 =	vadd.f32 v5, v57;
	v6 =	vadd.f32 v6, v58;
	_ =	sdelay $0x1  }
0x5d: {  	v5 =	vtrunc.f32 v5;
	v6 =	vtrunc.f32 v6  }
0x5e: {  	v5 =	vcvt.f32.s32 v5;
	v6 =	vcvt.f32.s32 v6;
	_ =	sdelay $0x1  }
0x5f: {  	vm4 =	vgt.s32 v5, $0x0;
	vm2 =	vgt.s32 v6, $0x0  }
0x60: {  	v60 =	vor.u32 v5, v6;
	v5 =	vnsel vm4, $0x0, v5;
	v61 =	vnsel vm2, $0x0, v6  }
0x61: {  	vm3 =	vlt.u32 v60, $0x40;
	v5 =	vmin.u32 v5, $0x3F;
	v7 =	vmin.u32 v61, $0x1F  }
0x62: {  	vm2 =	vmand vm3, vm0;
	vm3 =	vlt.s32 v6, $0x20;
	v7 =	vshll.u32 v7, $0xA  }
0x63: {  	vm15 =	vmand vm3, vm2;
	v7 =	vor.u32 v5, v7  }
0x64: {  	v7 =	vor.u32 v0, v7;
	_ =	sdelay $0x1  }
0x65: {  	v62 =	vsel vm3, $0x20, v6  }
0x66: {  	v8 =	vmin.u32 v62, $0x3F  }
0x67: {  	vm3 =	vgt.s32 v6, $0x1F;
	v63 =	vshll.u32 v8, $0xA  }
0x68: {  	vm2 =	vmand vm3, vm2;
	v5 =	vor.u32 v5, v63;
	[tilespmem:v7+s21+$0x0] =	vst.idx.msk vm15, v1  }
0x69: {  	v5 =	vadd.s32 v2, v5;
	[hbm4b:s11+s2] =	stream.linear.scatter [tilespmem:s21], [sflag:$0x1], $0x8000, $0x38;
	[tilespmem:$0x10300] =	vst v63  }
0x6a: {  	_ =	swait.ge [sflag:s24], $0x8000  }
0x6b: {  	[sflag:s24] =	ssyncset.done $0x0  }
0x6c: {  	[sflag:s24] =	ssyncadd.s32 $0xFFFF8000  }
0x6d: {  	[tilespmem:v4+s22+$0x0] =	vst.idx.msk vm1, v3  }
0x6e: {  	[tilespmem:v5+s22+$0x0] =	vst.idx.msk vm2, v1  }
0x6f: {  	[hbm4b:s12+s2] =	stream.linear.scatter [tilespmem:s22], [sflag:$0x2], $0x8000, $0x38;
	[tilespmem:$0x10300] =	vst v63  }
0x70: {  	p0 =	sne.s32 s14, $0x1;
	_ =	swait.ge [sflag:s23], $0x8000  }
.Ltmp1:
0x71: {  	[sflag:s23] =	ssyncset.done $0x0;
	(pc) =	sbr.rel @p0 .LBB2_2-.Ltmp1, $4  }
0x72: {  	[sflag:s23] =	ssyncadd.s32 $0xFFFF8000  }
0x73: {  	_ =	swait.ge [sflag:s24], $0x8000  }
0x74: {  	[sflag:s24] =	ssyncset.done $0x0  }
0x75: {  	s14 =	sadd.s32 $0xFFFFFFFF, s14;
	[sflag:s24] =	ssyncadd.s32 $0xFFFF8000  }
.LBB2_3:
0x76: {  	_ =	sfence.sel $0x180000  }
0x77: {  	[bflag:$0x0] =	sbarrier.arrive $0xFFFF  }
0x78: {  	p0 =	sne.s32 s1, $0x0;
	_ =	strace $0x90000047  }
0x79: {  	s0 =	sadd.s32 @!p0 $0x100000, s0;
	[bflag:$0x2] =	sbarrier.arrive $0xFFFF  }
0x7a: {  	[sflag:s0] =	ssyncadd.tile.s32 @!p0 $0x1;
	_ =	shalt  }
.Lfunc_end2:
_tile_overlayer_lowered:
.L_overlay_start_2:
0x7b: {  	(tag) =	ssettag $0x2  }
0x7c: {  	s0 =	rddreg [dreg:$0x0];
	s2 =	stileid.u32  }
0x7d: {  	s1 =	rddreg [dreg:$0x1];
	p0 =	sne.s32 s2, $0x0  }
0x7e: {  	s3 =	rddreg [dreg:$0x2];
	[bflag:$0x3] =	sbarrier.arrive $0xFFFF;
	s2 =	simm.s32 @!p0 $0x1C03  }
0x7f: {  	[timem:s3], [sflag:s2] =	dma.local @!p0 [hbm:s0], s1  }
0x80: {  	s0 =	simm.s32 @!p0 $0x3  }
0x81: {  	_ =	swait.ge @!p0 [sflag:s0], s1  }
0x82: {  	s1 =	ssub.s32 @!p0 $0x0, s1;
	[sflag:s0] =	ssyncset.done @!p0 $0x0  }
0x83: {  	[sflag:s0] =	ssyncadd.s32 @!p0 s1  }
0x84: {  	[bflag:$0x3] =	sbarrier.arrive $0xFFFF  }
0x85: {  	_ =	shalt  }

</sc_bundles>
